<compile_context>
chip_gen: v7x
topology: tpu7x:2x2x1
jax: 0.10.2.dev20260603
libtpu: 0.0.44.dev20260713+nightly
codegen_flags: <defaults>
</compile_context>

<pallas_src>
import jax
import jax.numpy as jnp
from jax import lax
from jax.experimental import pallas as pl
from jax.experimental.pallas import tpu as pltpu, tpu_sc as plsc

MAX_BATCH = 8
N_HEADS = 32
HEAD_DIM = 128
QLEN = 16

_TOTAL = MAX_BATCH * N_HEADS * QLEN * HEAD_DIM
_NC, _NS = 2, 16
_NW = _NC * _NS
_CHUNK = _TOTAL // _NW
_NBUF = 4
_PW = _CHUNK // _NBUF


def _sc_fill_body(k_in, k_out, buf, si0, si1, si2, si3, so0, so1, so2, so3):
    sem_in = (si0, si1, si2, si3)
    sem_out = (so0, so1, so2, so3)
    wid = lax.axis_index("s") * _NC + lax.axis_index("c")
    base = wid * _CHUNK

    ins = [None] * _NBUF
    outs = [None] * _NBUF
    for p in range(_NBUF):
        ins[p] = pltpu.make_async_copy(
            k_in.at[pl.ds(base + p * _PW, _PW)], buf.at[p], sem_in[p])
        ins[p].start()
    for p in range(_NBUF):
        ins[p].wait()
        outs[p] = pltpu.make_async_copy(
            buf.at[p], k_out.at[pl.ds(base + p * _PW, _PW)], sem_out[p])
        outs[p].start()
    for p in range(_NBUF):
        outs[p].wait()


def _tc_fill_body(v_val_ref, v_out_ref):
    v_out_ref[...] = v_val_ref[...]


def kernel(input_pos, k_val, v_val, k_cache, v_cache, pos):
    shape = (MAX_BATCH, N_HEADS, QLEN, HEAD_DIM)
    sc_fill = pl.kernel(
        _sc_fill_body,
        out_type=jax.ShapeDtypeStruct((_TOTAL,), k_val.dtype),
        scratch_types=(
            [pltpu.VMEM((_NBUF, _PW), jnp.float32)]
            + [pltpu.SemaphoreType.DMA] * (2 * _NBUF)
        ),
        mesh=plsc.VectorSubcoreMesh(core_axis_name="c", subcore_axis_name="s"),
    )
    k_out = sc_fill(k_val.reshape(_TOTAL)).reshape(shape)

    spec = pl.BlockSpec((1, N_HEADS, QLEN, HEAD_DIM), lambda b: (b, 0, 0, 0))
    v_out = pl.pallas_call(
        _tc_fill_body,
        grid=(MAX_BATCH,),
        in_specs=[spec],
        out_specs=spec,
        out_shape=jax.ShapeDtypeStruct(shape, v_val.dtype),
    )(v_val)
    return (k_out, v_out)

# --- scband reference (transcript-rebuilt; emitter-appended) ---
"""Pipeline reference for scband-kvcache-heavy-hitters-72730976190730 (READ-ONLY COPY).

The authoritative reference and input builder live on the scoring server;
editing this copy changes nothing except your own understanding.
"""

import jax, jax.numpy as jnp
import numpy as np

MAX_BATCH = 8
N_HEADS = 32
HEAD_DIM = 128
MAX_CACHE = 2048
QLEN = 16


def setup_inputs(seed: int = 0) -> dict:
    key = jax.random.key(seed)
    k1, k2 = jax.random.split(key)
    input_pos = jnp.arange(QLEN, dtype=jnp.int32)
    k_val = jax.random.normal(k1, (MAX_BATCH, N_HEADS, QLEN, HEAD_DIM), dtype=jnp.float32)
    v_val = jax.random.normal(k2, (MAX_BATCH, N_HEADS, QLEN, HEAD_DIM), dtype=jnp.float32)
    # module state buffers (fresh cache: updates=0, insertions=0)
    k_cache = jnp.zeros((MAX_BATCH, N_HEADS, MAX_CACHE, HEAD_DIM), dtype=jnp.float32)
    v_cache = jnp.zeros((MAX_BATCH, N_HEADS, MAX_CACHE, HEAD_DIM), dtype=jnp.float32)
    pos = jnp.full((MAX_BATCH, N_HEADS, MAX_CACHE), -1, dtype=jnp.int32)
    return {"input_pos": input_pos, "k_val": k_val, "v_val": v_val,
            "k_cache": k_cache, "v_cache": v_cache, "pos": pos}


def reference(input_pos, k_val, v_val, k_cache, v_cache, pos):
    # KVCacheHeavyHitters.update() on a fresh cache (insertions=0):
    # cand_new_num = 0 + QLEN <= max_cache_length -> sequential fill branch
    insertions = 0
    n = input_pos.shape[0]
    fill_indices = jnp.arange(insertions, insertions + n)
    # KVCache.fill(): scatter-overwrite pos / k_cache / v_cache at fill_indices
    pos = pos.at[:, :, fill_indices].set(input_pos.astype(jnp.int32))
    k_cache = k_cache.at[:, :, fill_indices, :].set(k_val)
    v_cache = v_cache.at[:, :, fill_indices, :].set(v_val)
    # update(): return caches truncated to min(insertions, max_cache_length)
    truncate_idx = min(insertions + n, MAX_CACHE)
    return (k_cache[:, :, :truncate_idx, :], v_cache[:, :, :truncate_idx, :])

if __name__ == "__main__":
    import jax
    _d = setup_inputs()
    print(jax.jit(kernel)(*tuple(_d.values())))

</pallas_src>

<mosaic_0001>
#map = affine_map<(d0, d1) -> (0)>
module attributes {stable_mosaic.version = 14 : i64} {
  func.func @_sc_fill_body(%arg0: i32, %arg1: i32, %arg2: memref<524288xf32, #tpu.memory_space<hbm>>, %arg3: memref<524288xf32, #tpu.memory_space<hbm>>, %arg4: memref<4x4096xf32, #tpu.memory_space<vmem>>, %arg5: memref<!tpu.dma_semaphore, #tpu.memory_space<semaphore_mem>>, %arg6: memref<!tpu.dma_semaphore, #tpu.memory_space<semaphore_mem>>, %arg7: memref<!tpu.dma_semaphore, #tpu.memory_space<semaphore_mem>>, %arg8: memref<!tpu.dma_semaphore, #tpu.memory_space<semaphore_mem>>, %arg9: memref<!tpu.dma_semaphore, #tpu.memory_space<semaphore_mem>>, %arg10: memref<!tpu.dma_semaphore, #tpu.memory_space<semaphore_mem>>, %arg11: memref<!tpu.dma_semaphore, #tpu.memory_space<semaphore_mem>>, %arg12: memref<!tpu.dma_semaphore, #tpu.memory_space<semaphore_mem>>) attributes {dimension_semantics = [#tpu.dimension_semantics<core_parallel>, #tpu.dimension_semantics<subcore_parallel>], iteration_bounds = array<i64: 2, 16>, scalar_prefetch = 0 : i64, scratch_operands = 9 : i64, tpu.core_type = #tpu.core_type<sc_vector_subcore>, window_params = [{transform_indices = #map}, {transform_indices = #map}]} {
    %mul3A = arith.constant 2 : i32
    %mul3A_0 = arith.muli %arg1, %mul3A : i32
    %add3A = arith.addi %mul3A_0, %arg0 : i32
    %mul3A_1 = arith.constant 16384 : i32
    %mul3A_2 = arith.muli %add3A, %mul3A_1 : i32
    %add3A_3 = arith.constant 0 : i32
    %add3A_4 = arith.addi %mul3A_2, %add3A_3 : i32
    %dma_start3A = arith.constant 0 : i32
    %dma_start3A_5 = arith.constant 0 : i32
    %dma_start3A_6 = tpu.memref_slice %arg4[%dma_start3A, %dma_start3A_5] : memref<4x4096xf32, #tpu.memory_space<vmem>> -> memref<1x4096xf32, #tpu.memory_space<vmem>>
    %dma_start3A_7 = tpu.memref_squeeze %dma_start3A_6 : memref<1x4096xf32, #tpu.memory_space<vmem>> -> memref<4096xf32, #tpu.memory_space<vmem>>
    %dma_start3A_8 = tpu.memref_slice %arg2[%add3A_4] : memref<524288xf32, #tpu.memory_space<hbm>> -> memref<4096xf32, #tpu.memory_space<hbm>>
    %dma_start3A_9 = arith.constant 0 : i32
    %dma_start3A_10 = tpu.memref_slice %arg4[%dma_start3A, %dma_start3A_9] : memref<4x4096xf32, #tpu.memory_space<vmem>> -> memref<1x4096xf32, #tpu.memory_space<vmem>>
    %dma_start3A_11 = tpu.memref_squeeze %dma_start3A_10 : memref<1x4096xf32, #tpu.memory_space<vmem>> -> memref<4096xf32, #tpu.memory_space<vmem>>
    %dma_start3A_12 = tpu.memref_slice %arg2[%add3A_4] : memref<524288xf32, #tpu.memory_space<hbm>> -> memref<4096xf32, #tpu.memory_space<hbm>>
    tpu.enqueue_dma source(%dma_start3A_12 : memref<4096xf32, #tpu.memory_space<hbm>>) target(%dma_start3A_11 : memref<4096xf32, #tpu.memory_space<vmem>>) target_semaphore(%arg5 : memref<!tpu.dma_semaphore, #tpu.memory_space<semaphore_mem>>)
    %add3A_13 = arith.constant 4096 : i32
    %add3A_14 = arith.addi %mul3A_2, %add3A_13 : i32
    %dma_start3A_15 = arith.constant 1 : i32
    %dma_start3A_16 = arith.constant 0 : i32
    %dma_start3A_17 = tpu.memref_slice %arg4[%dma_start3A_15, %dma_start3A_16] : memref<4x4096xf32, #tpu.memory_space<vmem>> -> memref<1x4096xf32, #tpu.memory_space<vmem>>
    %dma_start3A_18 = tpu.memref_squeeze %dma_start3A_17 : memref<1x4096xf32, #tpu.memory_space<vmem>> -> memref<4096xf32, #tpu.memory_space<vmem>>
    %dma_start3A_19 = tpu.memref_slice %arg2[%add3A_14] : memref<524288xf32, #tpu.memory_space<hbm>> -> memref<4096xf32, #tpu.memory_space<hbm>>
    %dma_start3A_20 = arith.constant 0 : i32
    %dma_start3A_21 = tpu.memref_slice %arg4[%dma_start3A_15, %dma_start3A_20] : memref<4x4096xf32, #tpu.memory_space<vmem>> -> memref<1x4096xf32, #tpu.memory_space<vmem>>
    %dma_start3A_22 = tpu.memref_squeeze %dma_start3A_21 : memref<1x4096xf32, #tpu.memory_space<vmem>> -> memref<4096xf32, #tpu.memory_space<vmem>>
    %dma_start3A_23 = tpu.memref_slice %arg2[%add3A_14] : memref<524288xf32, #tpu.memory_space<hbm>> -> memref<4096xf32, #tpu.memory_space<hbm>>
    tpu.enqueue_dma source(%dma_start3A_23 : memref<4096xf32, #tpu.memory_space<hbm>>) target(%dma_start3A_22 : memref<4096xf32, #tpu.memory_space<vmem>>) target_semaphore(%arg6 : memref<!tpu.dma_semaphore, #tpu.memory_space<semaphore_mem>>)
    %add3A_24 = arith.constant 8192 : i32
    %add3A_25 = arith.addi %mul3A_2, %add3A_24 : i32
    %dma_start3A_26 = arith.constant 2 : i32
    %dma_start3A_27 = arith.constant 0 : i32
    %dma_start3A_28 = tpu.memref_slice %arg4[%dma_start3A_26, %dma_start3A_27] : memref<4x4096xf32, #tpu.memory_space<vmem>> -> memref<1x4096xf32, #tpu.memory_space<vmem>>
    %dma_start3A_29 = tpu.memref_squeeze %dma_start3A_28 : memref<1x4096xf32, #tpu.memory_space<vmem>> -> memref<4096xf32, #tpu.memory_space<vmem>>
    %dma_start3A_30 = tpu.memref_slice %arg2[%add3A_25] : memref<524288xf32, #tpu.memory_space<hbm>> -> memref<4096xf32, #tpu.memory_space<hbm>>
    %dma_start3A_31 = arith.constant 0 : i32
    %dma_start3A_32 = tpu.memref_slice %arg4[%dma_start3A_26, %dma_start3A_31] : memref<4x4096xf32, #tpu.memory_space<vmem>> -> memref<1x4096xf32, #tpu.memory_space<vmem>>
    %dma_start3A_33 = tpu.memref_squeeze %dma_start3A_32 : memref<1x4096xf32, #tpu.memory_space<vmem>> -> memref<4096xf32, #tpu.memory_space<vmem>>
    %dma_start3A_34 = tpu.memref_slice %arg2[%add3A_25] : memref<524288xf32, #tpu.memory_space<hbm>> -> memref<4096xf32, #tpu.memory_space<hbm>>
    tpu.enqueue_dma source(%dma_start3A_34 : memref<4096xf32, #tpu.memory_space<hbm>>) target(%dma_start3A_33 : memref<4096xf32, #tpu.memory_space<vmem>>) target_semaphore(%arg7 : memref<!tpu.dma_semaphore, #tpu.memory_space<semaphore_mem>>)
    %add3A_35 = arith.constant 12288 : i32
    %add3A_36 = arith.addi %mul3A_2, %add3A_35 : i32
    %dma_start3A_37 = arith.constant 3 : i32
    %dma_start3A_38 = arith.constant 0 : i32
    %dma_start3A_39 = tpu.memref_slice %arg4[%dma_start3A_37, %dma_start3A_38] : memref<4x4096xf32, #tpu.memory_space<vmem>> -> memref<1x4096xf32, #tpu.memory_space<vmem>>
    %dma_start3A_40 = tpu.memref_squeeze %dma_start3A_39 : memref<1x4096xf32, #tpu.memory_space<vmem>> -> memref<4096xf32, #tpu.memory_space<vmem>>
    %dma_start3A_41 = tpu.memref_slice %arg2[%add3A_36] : memref<524288xf32, #tpu.memory_space<hbm>> -> memref<4096xf32, #tpu.memory_space<hbm>>
    %dma_start3A_42 = arith.constant 0 : i32
    %dma_start3A_43 = tpu.memref_slice %arg4[%dma_start3A_37, %dma_start3A_42] : memref<4x4096xf32, #tpu.memory_space<vmem>> -> memref<1x4096xf32, #tpu.memory_space<vmem>>
    %dma_start3A_44 = tpu.memref_squeeze %dma_start3A_43 : memref<1x4096xf32, #tpu.memory_space<vmem>> -> memref<4096xf32, #tpu.memory_space<vmem>>
    %dma_start3A_45 = tpu.memref_slice %arg2[%add3A_36] : memref<524288xf32, #tpu.memory_space<hbm>> -> memref<4096xf32, #tpu.memory_space<hbm>>
    tpu.enqueue_dma source(%dma_start3A_45 : memref<4096xf32, #tpu.memory_space<hbm>>) target(%dma_start3A_44 : memref<4096xf32, #tpu.memory_space<vmem>>) target_semaphore(%arg8 : memref<!tpu.dma_semaphore, #tpu.memory_space<semaphore_mem>>)
    %dma_wait3A = arith.constant 0 : i32
    %dma_wait3A_46 = arith.constant 0 : i32
    %dma_wait3A_47 = tpu.memref_slice %arg4[%dma_wait3A, %dma_wait3A_46] : memref<4x4096xf32, #tpu.memory_space<vmem>> -> memref<1x4096xf32, #tpu.memory_space<vmem>>
    %dma_wait3A_48 = tpu.memref_squeeze %dma_wait3A_47 : memref<1x4096xf32, #tpu.memory_space<vmem>> -> memref<4096xf32, #tpu.memory_space<vmem>>
    %dma_wait3A_49 = tpu.memref_slice %arg2[%add3A_4] : memref<524288xf32, #tpu.memory_space<hbm>> -> memref<4096xf32, #tpu.memory_space<hbm>>
    %dma_wait3A_50 = arith.constant 0 : i32
    %dma_wait3A_51 = tpu.memref_slice %arg4[%dma_wait3A, %dma_wait3A_50] : memref<4x4096xf32, #tpu.memory_space<vmem>> -> memref<1x4096xf32, #tpu.memory_space<vmem>>
    %dma_wait3A_52 = tpu.memref_squeeze %dma_wait3A_51 : memref<1x4096xf32, #tpu.memory_space<vmem>> -> memref<4096xf32, #tpu.memory_space<vmem>>
    %dma_wait3A_53 = tpu.memref_slice %arg2[%add3A_4] : memref<524288xf32, #tpu.memory_space<hbm>> -> memref<4096xf32, #tpu.memory_space<hbm>>
    tpu.wait_dma2 semaphore(%arg5 : memref<!tpu.dma_semaphore, #tpu.memory_space<semaphore_mem>>) src(%dma_wait3A_53 : memref<4096xf32, #tpu.memory_space<hbm>>) dst(%dma_wait3A_52 : memref<4096xf32, #tpu.memory_space<vmem>>)
    %add3A_54 = arith.constant 0 : i32
    %add3A_55 = arith.addi %mul3A_2, %add3A_54 : i32
    %dma_start3A_56 = arith.constant 0 : i32
    %dma_start3A_57 = arith.constant 0 : i32
    %dma_start3A_58 = tpu.memref_slice %arg4[%dma_start3A_56, %dma_start3A_57] : memref<4x4096xf32, #tpu.memory_space<vmem>> -> memref<1x4096xf32, #tpu.memory_space<vmem>>
    %dma_start3A_59 = tpu.memref_squeeze %dma_start3A_58 : memref<1x4096xf32, #tpu.memory_space<vmem>> -> memref<4096xf32, #tpu.memory_space<vmem>>
    %dma_start3A_60 = tpu.memref_slice %arg3[%add3A_55] : memref<524288xf32, #tpu.memory_space<hbm>> -> memref<4096xf32, #tpu.memory_space<hbm>>
    %dma_start3A_61 = tpu.memref_slice %arg3[%add3A_55] : memref<524288xf32, #tpu.memory_space<hbm>> -> memref<4096xf32, #tpu.memory_space<hbm>>
    %dma_start3A_62 = arith.constant 0 : i32
    %dma_start3A_63 = tpu.memref_slice %arg4[%dma_start3A_56, %dma_start3A_62] : memref<4x4096xf32, #tpu.memory_space<vmem>> -> memref<1x4096xf32, #tpu.memory_space<vmem>>
    %dma_start3A_64 = tpu.memref_squeeze %dma_start3A_63 : memref<1x4096xf32, #tpu.memory_space<vmem>> -> memref<4096xf32, #tpu.memory_space<vmem>>
    tpu.enqueue_dma source(%dma_start3A_64 : memref<4096xf32, #tpu.memory_space<vmem>>) target(%dma_start3A_61 : memref<4096xf32, #tpu.memory_space<hbm>>) target_semaphore(%arg9 : memref<!tpu.dma_semaphore, #tpu.memory_space<semaphore_mem>>)
    %dma_wait3A_65 = arith.constant 1 : i32
    %dma_wait3A_66 = arith.constant 0 : i32
    %dma_wait3A_67 = tpu.memref_slice %arg4[%dma_wait3A_65, %dma_wait3A_66] : memref<4x4096xf32, #tpu.memory_space<vmem>> -> memref<1x4096xf32, #tpu.memory_space<vmem>>
    %dma_wait3A_68 = tpu.memref_squeeze %dma_wait3A_67 : memref<1x4096xf32, #tpu.memory_space<vmem>> -> memref<4096xf32, #tpu.memory_space<vmem>>
    %dma_wait3A_69 = tpu.memref_slice %arg2[%add3A_14] : memref<524288xf32, #tpu.memory_space<hbm>> -> memref<4096xf32, #tpu.memory_space<hbm>>
    %dma_wait3A_70 = arith.constant 0 : i32
    %dma_wait3A_71 = tpu.memref_slice %arg4[%dma_wait3A_65, %dma_wait3A_70] : memref<4x4096xf32, #tpu.memory_space<vmem>> -> memref<1x4096xf32, #tpu.memory_space<vmem>>
    %dma_wait3A_72 = tpu.memref_squeeze %dma_wait3A_71 : memref<1x4096xf32, #tpu.memory_space<vmem>> -> memref<4096xf32, #tpu.memory_space<vmem>>
    %dma_wait3A_73 = tpu.memref_slice %arg2[%add3A_14] : memref<524288xf32, #tpu.memory_space<hbm>> -> memref<4096xf32, #tpu.memory_space<hbm>>
    tpu.wait_dma2 semaphore(%arg6 : memref<!tpu.dma_semaphore, #tpu.memory_space<semaphore_mem>>) src(%dma_wait3A_73 : memref<4096xf32, #tpu.memory_space<hbm>>) dst(%dma_wait3A_72 : memref<4096xf32, #tpu.memory_space<vmem>>)
    %add3A_74 = arith.constant 4096 : i32
    %add3A_75 = arith.addi %mul3A_2, %add3A_74 : i32
    %dma_start3A_76 = arith.constant 1 : i32
    %dma_start3A_77 = arith.constant 0 : i32
    %dma_start3A_78 = tpu.memref_slice %arg4[%dma_start3A_76, %dma_start3A_77] : memref<4x4096xf32, #tpu.memory_space<vmem>> -> memref<1x4096xf32, #tpu.memory_space<vmem>>
    %dma_start3A_79 = tpu.memref_squeeze %dma_start3A_78 : memref<1x4096xf32, #tpu.memory_space<vmem>> -> memref<4096xf32, #tpu.memory_space<vmem>>
    %dma_start3A_80 = tpu.memref_slice %arg3[%add3A_75] : memref<524288xf32, #tpu.memory_space<hbm>> -> memref<4096xf32, #tpu.memory_space<hbm>>
    %dma_start3A_81 = tpu.memref_slice %arg3[%add3A_75] : memref<524288xf32, #tpu.memory_space<hbm>> -> memref<4096xf32, #tpu.memory_space<hbm>>
    %dma_start3A_82 = arith.constant 0 : i32
    %dma_start3A_83 = tpu.memref_slice %arg4[%dma_start3A_76, %dma_start3A_82] : memref<4x4096xf32, #tpu.memory_space<vmem>> -> memref<1x4096xf32, #tpu.memory_space<vmem>>
    %dma_start3A_84 = tpu.memref_squeeze %dma_start3A_83 : memref<1x4096xf32, #tpu.memory_space<vmem>> -> memref<4096xf32, #tpu.memory_space<vmem>>
    tpu.enqueue_dma source(%dma_start3A_84 : memref<4096xf32, #tpu.memory_space<vmem>>) target(%dma_start3A_81 : memref<4096xf32, #tpu.memory_space<hbm>>) target_semaphore(%arg10 : memref<!tpu.dma_semaphore, #tpu.memory_space<semaphore_mem>>)
    %dma_wait3A_85 = arith.constant 2 : i32
    %dma_wait3A_86 = arith.constant 0 : i32
    %dma_wait3A_87 = tpu.memref_slice %arg4[%dma_wait3A_85, %dma_wait3A_86] : memref<4x4096xf32, #tpu.memory_space<vmem>> -> memref<1x4096xf32, #tpu.memory_space<vmem>>
    %dma_wait3A_88 = tpu.memref_squeeze %dma_wait3A_87 : memref<1x4096xf32, #tpu.memory_space<vmem>> -> memref<4096xf32, #tpu.memory_space<vmem>>
    %dma_wait3A_89 = tpu.memref_slice %arg2[%add3A_25] : memref<524288xf32, #tpu.memory_space<hbm>> -> memref<4096xf32, #tpu.memory_space<hbm>>
    %dma_wait3A_90 = arith.constant 0 : i32
    %dma_wait3A_91 = tpu.memref_slice %arg4[%dma_wait3A_85, %dma_wait3A_90] : memref<4x4096xf32, #tpu.memory_space<vmem>> -> memref<1x4096xf32, #tpu.memory_space<vmem>>
    %dma_wait3A_92 = tpu.memref_squeeze %dma_wait3A_91 : memref<1x4096xf32, #tpu.memory_space<vmem>> -> memref<4096xf32, #tpu.memory_space<vmem>>
    %dma_wait3A_93 = tpu.memref_slice %arg2[%add3A_25] : memref<524288xf32, #tpu.memory_space<hbm>> -> memref<4096xf32, #tpu.memory_space<hbm>>
    tpu.wait_dma2 semaphore(%arg7 : memref<!tpu.dma_semaphore, #tpu.memory_space<semaphore_mem>>) src(%dma_wait3A_93 : memref<4096xf32, #tpu.memory_space<hbm>>) dst(%dma_wait3A_92 : memref<4096xf32, #tpu.memory_space<vmem>>)
    %add3A_94 = arith.constant 8192 : i32
    %add3A_95 = arith.addi %mul3A_2, %add3A_94 : i32
    %dma_start3A_96 = arith.constant 2 : i32
    %dma_start3A_97 = arith.constant 0 : i32
    %dma_start3A_98 = tpu.memref_slice %arg4[%dma_start3A_96, %dma_start3A_97] : memref<4x4096xf32, #tpu.memory_space<vmem>> -> memref<1x4096xf32, #tpu.memory_space<vmem>>
    %dma_start3A_99 = tpu.memref_squeeze %dma_start3A_98 : memref<1x4096xf32, #tpu.memory_space<vmem>> -> memref<4096xf32, #tpu.memory_space<vmem>>
    %dma_start3A_100 = tpu.memref_slice %arg3[%add3A_95] : memref<524288xf32, #tpu.memory_space<hbm>> -> memref<4096xf32, #tpu.memory_space<hbm>>
    %dma_start3A_101 = tpu.memref_slice %arg3[%add3A_95] : memref<524288xf32, #tpu.memory_space<hbm>> -> memref<4096xf32, #tpu.memory_space<hbm>>
    %dma_start3A_102 = arith.constant 0 : i32
    %dma_start3A_103 = tpu.memref_slice %arg4[%dma_start3A_96, %dma_start3A_102] : memref<4x4096xf32, #tpu.memory_space<vmem>> -> memref<1x4096xf32, #tpu.memory_space<vmem>>
    %dma_start3A_104 = tpu.memref_squeeze %dma_start3A_103 : memref<1x4096xf32, #tpu.memory_space<vmem>> -> memref<4096xf32, #tpu.memory_space<vmem>>
    tpu.enqueue_dma source(%dma_start3A_104 : memref<4096xf32, #tpu.memory_space<vmem>>) target(%dma_start3A_101 : memref<4096xf32, #tpu.memory_space<hbm>>) target_semaphore(%arg11 : memref<!tpu.dma_semaphore, #tpu.memory_space<semaphore_mem>>)
    %dma_wait3A_105 = arith.constant 3 : i32
    %dma_wait3A_106 = arith.constant 0 : i32
    %dma_wait3A_107 = tpu.memref_slice %arg4[%dma_wait3A_105, %dma_wait3A_106] : memref<4x4096xf32, #tpu.memory_space<vmem>> -> memref<1x4096xf32, #tpu.memory_space<vmem>>
    %dma_wait3A_108 = tpu.memref_squeeze %dma_wait3A_107 : memref<1x4096xf32, #tpu.memory_space<vmem>> -> memref<4096xf32, #tpu.memory_space<vmem>>
    %dma_wait3A_109 = tpu.memref_slice %arg2[%add3A_36] : memref<524288xf32, #tpu.memory_space<hbm>> -> memref<4096xf32, #tpu.memory_space<hbm>>
    %dma_wait3A_110 = arith.constant 0 : i32
    %dma_wait3A_111 = tpu.memref_slice %arg4[%dma_wait3A_105, %dma_wait3A_110] : memref<4x4096xf32, #tpu.memory_space<vmem>> -> memref<1x4096xf32, #tpu.memory_space<vmem>>
    %dma_wait3A_112 = tpu.memref_squeeze %dma_wait3A_111 : memref<1x4096xf32, #tpu.memory_space<vmem>> -> memref<4096xf32, #tpu.memory_space<vmem>>
    %dma_wait3A_113 = tpu.memref_slice %arg2[%add3A_36] : memref<524288xf32, #tpu.memory_space<hbm>> -> memref<4096xf32, #tpu.memory_space<hbm>>
    tpu.wait_dma2 semaphore(%arg8 : memref<!tpu.dma_semaphore, #tpu.memory_space<semaphore_mem>>) src(%dma_wait3A_113 : memref<4096xf32, #tpu.memory_space<hbm>>) dst(%dma_wait3A_112 : memref<4096xf32, #tpu.memory_space<vmem>>)
    %add3A_114 = arith.constant 12288 : i32
    %add3A_115 = arith.addi %mul3A_2, %add3A_114 : i32
    %dma_start3A_116 = arith.constant 3 : i32
    %dma_start3A_117 = arith.constant 0 : i32
    %dma_start3A_118 = tpu.memref_slice %arg4[%dma_start3A_116, %dma_start3A_117] : memref<4x4096xf32, #tpu.memory_space<vmem>> -> memref<1x4096xf32, #tpu.memory_space<vmem>>
    %dma_start3A_119 = tpu.memref_squeeze %dma_start3A_118 : memref<1x4096xf32, #tpu.memory_space<vmem>> -> memref<4096xf32, #tpu.memory_space<vmem>>
    %dma_start3A_120 = tpu.memref_slice %arg3[%add3A_115] : memref<524288xf32, #tpu.memory_space<hbm>> -> memref<4096xf32, #tpu.memory_space<hbm>>
    %dma_start3A_121 = tpu.memref_slice %arg3[%add3A_115] : memref<524288xf32, #tpu.memory_space<hbm>> -> memref<4096xf32, #tpu.memory_space<hbm>>
    %dma_start3A_122 = arith.constant 0 : i32
    %dma_start3A_123 = tpu.memref_slice %arg4[%dma_start3A_116, %dma_start3A_122] : memref<4x4096xf32, #tpu.memory_space<vmem>> -> memref<1x4096xf32, #tpu.memory_space<vmem>>
    %dma_start3A_124 = tpu.memref_squeeze %dma_start3A_123 : memref<1x4096xf32, #tpu.memory_space<vmem>> -> memref<4096xf32, #tpu.memory_space<vmem>>
    tpu.enqueue_dma source(%dma_start3A_124 : memref<4096xf32, #tpu.memory_space<vmem>>) target(%dma_start3A_121 : memref<4096xf32, #tpu.memory_space<hbm>>) target_semaphore(%arg12 : memref<!tpu.dma_semaphore, #tpu.memory_space<semaphore_mem>>)
    %dma_wait3A_125 = arith.constant 0 : i32
    %dma_wait3A_126 = arith.constant 0 : i32
    %dma_wait3A_127 = tpu.memref_slice %arg4[%dma_wait3A_125, %dma_wait3A_126] : memref<4x4096xf32, #tpu.memory_space<vmem>> -> memref<1x4096xf32, #tpu.memory_space<vmem>>
    %dma_wait3A_128 = tpu.memref_squeeze %dma_wait3A_127 : memref<1x4096xf32, #tpu.memory_space<vmem>> -> memref<4096xf32, #tpu.memory_space<vmem>>
    %dma_wait3A_129 = tpu.memref_slice %arg3[%add3A_55] : memref<524288xf32, #tpu.memory_space<hbm>> -> memref<4096xf32, #tpu.memory_space<hbm>>
    %dma_wait3A_130 = tpu.memref_slice %arg3[%add3A_55] : memref<524288xf32, #tpu.memory_space<hbm>> -> memref<4096xf32, #tpu.memory_space<hbm>>
    %dma_wait3A_131 = arith.constant 0 : i32
    %dma_wait3A_132 = tpu.memref_slice %arg4[%dma_wait3A_125, %dma_wait3A_131] : memref<4x4096xf32, #tpu.memory_space<vmem>> -> memref<1x4096xf32, #tpu.memory_space<vmem>>
    %dma_wait3A_133 = tpu.memref_squeeze %dma_wait3A_132 : memref<1x4096xf32, #tpu.memory_space<vmem>> -> memref<4096xf32, #tpu.memory_space<vmem>>
    tpu.wait_dma2 semaphore(%arg9 : memref<!tpu.dma_semaphore, #tpu.memory_space<semaphore_mem>>) src(%dma_wait3A_133 : memref<4096xf32, #tpu.memory_space<vmem>>) dst(%dma_wait3A_130 : memref<4096xf32, #tpu.memory_space<hbm>>)
    %dma_wait3A_134 = arith.constant 1 : i32
    %dma_wait3A_135 = arith.constant 0 : i32
    %dma_wait3A_136 = tpu.memref_slice %arg4[%dma_wait3A_134, %dma_wait3A_135] : memref<4x4096xf32, #tpu.memory_space<vmem>> -> memref<1x4096xf32, #tpu.memory_space<vmem>>
    %dma_wait3A_137 = tpu.memref_squeeze %dma_wait3A_136 : memref<1x4096xf32, #tpu.memory_space<vmem>> -> memref<4096xf32, #tpu.memory_space<vmem>>
    %dma_wait3A_138 = tpu.memref_slice %arg3[%add3A_75] : memref<524288xf32, #tpu.memory_space<hbm>> -> memref<4096xf32, #tpu.memory_space<hbm>>
    %dma_wait3A_139 = tpu.memref_slice %arg3[%add3A_75] : memref<524288xf32, #tpu.memory_space<hbm>> -> memref<4096xf32, #tpu.memory_space<hbm>>
    %dma_wait3A_140 = arith.constant 0 : i32
    %dma_wait3A_141 = tpu.memref_slice %arg4[%dma_wait3A_134, %dma_wait3A_140] : memref<4x4096xf32, #tpu.memory_space<vmem>> -> memref<1x4096xf32, #tpu.memory_space<vmem>>
    %dma_wait3A_142 = tpu.memref_squeeze %dma_wait3A_141 : memref<1x4096xf32, #tpu.memory_space<vmem>> -> memref<4096xf32, #tpu.memory_space<vmem>>
    tpu.wait_dma2 semaphore(%arg10 : memref<!tpu.dma_semaphore, #tpu.memory_space<semaphore_mem>>) src(%dma_wait3A_142 : memref<4096xf32, #tpu.memory_space<vmem>>) dst(%dma_wait3A_139 : memref<4096xf32, #tpu.memory_space<hbm>>)
    %dma_wait3A_143 = arith.constant 2 : i32
    %dma_wait3A_144 = arith.constant 0 : i32
    %dma_wait3A_145 = tpu.memref_slice %arg4[%dma_wait3A_143, %dma_wait3A_144] : memref<4x4096xf32, #tpu.memory_space<vmem>> -> memref<1x4096xf32, #tpu.memory_space<vmem>>
    %dma_wait3A_146 = tpu.memref_squeeze %dma_wait3A_145 : memref<1x4096xf32, #tpu.memory_space<vmem>> -> memref<4096xf32, #tpu.memory_space<vmem>>
    %dma_wait3A_147 = tpu.memref_slice %arg3[%add3A_95] : memref<524288xf32, #tpu.memory_space<hbm>> -> memref<4096xf32, #tpu.memory_space<hbm>>
    %dma_wait3A_148 = tpu.memref_slice %arg3[%add3A_95] : memref<524288xf32, #tpu.memory_space<hbm>> -> memref<4096xf32, #tpu.memory_space<hbm>>
    %dma_wait3A_149 = arith.constant 0 : i32
    %dma_wait3A_150 = tpu.memref_slice %arg4[%dma_wait3A_143, %dma_wait3A_149] : memref<4x4096xf32, #tpu.memory_space<vmem>> -> memref<1x4096xf32, #tpu.memory_space<vmem>>
    %dma_wait3A_151 = tpu.memref_squeeze %dma_wait3A_150 : memref<1x4096xf32, #tpu.memory_space<vmem>> -> memref<4096xf32, #tpu.memory_space<vmem>>
    tpu.wait_dma2 semaphore(%arg11 : memref<!tpu.dma_semaphore, #tpu.memory_space<semaphore_mem>>) src(%dma_wait3A_151 : memref<4096xf32, #tpu.memory_space<vmem>>) dst(%dma_wait3A_148 : memref<4096xf32, #tpu.memory_space<hbm>>)
    %dma_wait3A_152 = arith.constant 3 : i32
    %dma_wait3A_153 = arith.constant 0 : i32
    %dma_wait3A_154 = tpu.memref_slice %arg4[%dma_wait3A_152, %dma_wait3A_153] : memref<4x4096xf32, #tpu.memory_space<vmem>> -> memref<1x4096xf32, #tpu.memory_space<vmem>>
    %dma_wait3A_155 = tpu.memref_squeeze %dma_wait3A_154 : memref<1x4096xf32, #tpu.memory_space<vmem>> -> memref<4096xf32, #tpu.memory_space<vmem>>
    %dma_wait3A_156 = tpu.memref_slice %arg3[%add3A_115] : memref<524288xf32, #tpu.memory_space<hbm>> -> memref<4096xf32, #tpu.memory_space<hbm>>
    %dma_wait3A_157 = tpu.memref_slice %arg3[%add3A_115] : memref<524288xf32, #tpu.memory_space<hbm>> -> memref<4096xf32, #tpu.memory_space<hbm>>
    %dma_wait3A_158 = arith.constant 0 : i32
    %dma_wait3A_159 = tpu.memref_slice %arg4[%dma_wait3A_152, %dma_wait3A_158] : memref<4x4096xf32, #tpu.memory_space<vmem>> -> memref<1x4096xf32, #tpu.memory_space<vmem>>
    %dma_wait3A_160 = tpu.memref_squeeze %dma_wait3A_159 : memref<1x4096xf32, #tpu.memory_space<vmem>> -> memref<4096xf32, #tpu.memory_space<vmem>>
    tpu.wait_dma2 semaphore(%arg12 : memref<!tpu.dma_semaphore, #tpu.memory_space<semaphore_mem>>) src(%dma_wait3A_160 : memref<4096xf32, #tpu.memory_space<vmem>>) dst(%dma_wait3A_157 : memref<4096xf32, #tpu.memory_space<hbm>>)
    return
  }
}

module attributes {stable_mosaic.version = 14 : i64} {
  func.func @_tc_fill_body(%arg0: i32, %arg1: memref<1x32x16x128xf32, #tpu.memory_space<vmem>>, %arg2: memref<1x32x16x128xf32, #tpu.memory_space<vmem>>) attributes {dimension_semantics = [#tpu.dimension_semantics<arbitrary>], iteration_bounds = array<i64: 8>, scalar_prefetch = 0 : i64, scratch_operands = 0 : i64, tpu.core_type = #tpu.core_type<tc>, window_params = [{transform_indices = @transform_0, window_bounds = array<i64: 1, 32, 16, 128>}, {transform_indices = @transform_1, window_bounds = array<i64: 1, 32, 16, 128>}]} {
    %get3A = arith.constant 0 : index
    %get3A_0 = arith.constant 0 : index
    %get3A_1 = arith.constant 0 : index
    %get3A_2 = arith.constant 0 : index
    %get3A_3 = vector.load %arg1[%get3A, %get3A_0, %get3A_1, %get3A_2] : memref<1x32x16x128xf32, #tpu.memory_space<vmem>>, vector<1x32x16x128xf32>
    %swap3A = arith.constant 0 : index
    %swap3A_4 = arith.constant 0 : index
    %swap3A_5 = arith.constant 0 : index
    %swap3A_6 = arith.constant 0 : index
    %swap3A_7 = vector.load %arg2[%swap3A, %swap3A_4, %swap3A_5, %swap3A_6] : memref<1x32x16x128xf32, #tpu.memory_space<vmem>>, vector<1x32x16x128xf32>
    tpu.vector_store %arg2[%swap3A, %swap3A_4, %swap3A_5, %swap3A_6], %get3A_3 {strides = array<i32>} : memref<1x32x16x128xf32, #tpu.memory_space<vmem>>, vector<1x32x16x128xf32>,
    return
  }
  func.func @transform_0(%arg0: i32) -> (i32, i32, i32, i32) {
    %c0_i32 = arith.constant 0 : i32
    %c0_i32_0 = arith.constant 0 : i32
    %c0_i32_1 = arith.constant 0 : i32
    %c0_i32_2 = arith.constant 0 : i32
    return %arg0, %c0_i32, %c0_i32_0, %c0_i32_1 : i32, i32, i32, i32
  }
  func.func @transform_1(%arg0: i32) -> (i32, i32, i32, i32) {
    %c0_i32 = arith.constant 0 : i32
    %c0_i32_0 = arith.constant 0 : i32
    %c0_i32_1 = arith.constant 0 : i32
    %c0_i32_2 = arith.constant 0 : i32
    return %arg0, %c0_i32, %c0_i32_0, %c0_i32_1 : i32, i32, i32, i32
  }
}

</mosaic_0001>

<sc_bundles>
// kernel: kernel.4.cloned.1.call-start
scs
__scs_entry_jumppad:
0x0: {  	(pc) =	sbr.rel $0x88, $3  }
0x1: {  	(tag) =	ssettag $0x0;
	lr =	simm.s32 $0x1  }
0x2: {  	[smem:$0x3F9F] =	sst lr;
	_ =	strace $0xD0000000  }
0x3: {  	_ = 	snop  }
0x4: {  	_ = 	snop  }
0x5: {  	_ = 	snop  }
0x6: {  	_ = 	snop  }
0x7: {  	_ = 	snop  }
__scs_overlays_trampoline_lowered:
0x8: {  	[smem:$0x3FAE] =	sst s0  }
0x9: {  	[smem:$0x3FAF] =	sst s1  }
0xa: {  	[smem:$0x3FB0] =	sst s2  }
0xb: {  	[smem:$0x3FB1] =	sst s3  }
0xc: {  	[smem:$0x3FB2] =	sst s4  }
0xd: {  	[smem:$0x3FB3] =	sst s5  }
0xe: {  	[smem:$0x3FB4] =	sst s6  }
0xf: {  	[smem:$0x3FB5] =	sst s7  }
0x10: {  	[smem:$0x3FB6] =	sst s8  }
0x11: {  	[smem:$0x3FB7] =	sst s9;
	s0 =	simm.s32 @!p0 $0x0  }
0x12: {  	s1 =	sld [smem:$0x3F9D];
	s0 =	simm.s32 @p0 $0x1  }
0x13: {  	[smem:$0x3FB8] =	sst s0;
	s0 =	simm.s32 @!p1 $0x0  }
0x14: {  	s2 =	sld [smem:$0x3F9C];
	s0 =	simm.s32 @p1 $0x1  }
0x15: {  	[smem:$0x3FB9] =	sst s0;
	s0 =	simm.s32 @!p2 $0x0  }
0x16: {  	s3 =	sld [smem:$0x3FDB];
	s0 =	simm.s32 @p2 $0x1  }
0x17: {  	s4 =	simm.s32 $0x1BF5;
	[smem:$0x3FBB] =	sst s0  }
0x18: {  	s0 =	sld [smem:$0x3F9E];
	_ =	swait.ge [sflag:s4], $0x0  }
0x19: {  	s7 =	sld [smem:$0x3F9F]  }
0x1a: {  	s8 =	sadd.s32 $0xFFFFE003, lr  }
0x1b: {  	s9 =	sadd.s32 $0xFFFFFEF7, lr;
	s5 =	simm.s32 $0xFFFFFFFF;
	p2 =	slt.u32 s8, $0xFFFFF086  }
0x1c: {  	p1 =	slt.u32 s9, $0xF7A;
	s5 =	simm.s32 @!p2 $0x0  }
0x1d: {  	s5 =	simm.s32 @p1 $0x1;
	p0 =	seq.s32 s7, s2  }
0x1e: {  	s7 =	smul.u32 @!p0 $0xF7A, s2;
	p2 =	seq.s32 @!p0 s5, $0x0  }
0x1f: {  	s9 =	smul.u32 $0xF7A, s1;
	s8 =	simm.s32 @!p0 $0x1BF5;
	p2 =	por !p2, p0  }
0x20: {  	[sflag:s8] =	ssyncset.s32 @!p0 $0xFFFFF086;
	s6 =	sadd.s32 @!p0 s3, s7;
	s7 =	simm.s32 @!p0 $0x108  }
0x21: {  	s3 =	sadd.s32 s3, s9;
	s6 =	sadd.s32 @!p0 $0x88, s6;
	s7 =	simm.s32 @p2 $0x1082  }
0x22: {  	[simem:s7], [sflag:s8] =	dma.local @!p0 [hbm:s6], $0xF7A  }
0x23: {  	s9 =	sor.u32 $0xD0000000, s2;
	s6 =	simm.s32 $0x108;
	_ =	swait.ge @!p0 [sflag:s8], $0x0  }
0x24: {  	s3 =	sadd.s32 $0x88, s3;
	s6 =	simm.s32 @!p1 $0x1082;
	[sflag:s4] =	ssyncset.s32 $0xFFFFF086  }
0x25: {  	[simem:s6], [sflag:s4] =	dma.local [hbm:s3], $0xF7A  }
0x26: {  	[smem:$0x3F9F] =	sst s1;
	(tag) =	ssettag s2;
	_ =	strace s9  }
0x27: {  	s1 =	sld [smem:$0x3FAF]  }
0x28: {  	s2 =	sld [smem:$0x3FB0]  }
0x29: {  	s4 =	sld [smem:$0x3FB2]  }
0x2a: {  	p0 =	seq.s32 s5, $0x0;
	s5 =	sld [smem:$0x3FB3]  }
0x2b: {  	s6 =	sld [smem:$0x3FB4]  }
0x2c: {  	s7 =	sld [smem:$0x3FB5]  }
0x2d: {  	s3 =	simm.s32 $0x108;
	s8 =	sld [smem:$0x3FB6]  }
0x2e: {  	s3 =	simm.s32 @!p0 $0x1082;
	s9 =	sld [smem:$0x3FB7]  }
0x2f: {  	lr =	sadd.s32 s0, s3;
	s0 =	sld [smem:$0x3FAE]  }
0x30: {  	s3 =	sld [smem:$0x3FB1]  }
0x31: {  	[smem:$0x3FBA] =	sst s10  }
0x32: {  	s10 =	sld [smem:$0x3FB8];
	_ =	sdelay $0x3  }
0x33: {  	p0 =	seq.s32 s10, $0x1;
	s10 =	sld [smem:$0x3FBA];
	_ =	sdelay $0x3  }
0x34: {  	[smem:$0x3FBA] =	sst s10  }
0x35: {  	s10 =	sld [smem:$0x3FB9];
	_ =	sdelay $0x3  }
0x36: {  	p1 =	seq.s32 s10, $0x1;
	s10 =	sld [smem:$0x3FBA];
	_ =	sdelay $0x3  }
0x37: {  	[smem:$0x3FBA] =	sst s10  }
0x38: {  	s10 =	sld [smem:$0x3FBB]  }
0x39: {  	_ = 	snop;
	(pc) =	sbr.ind lr, $3  }
0x3a: {  	_ = 	snop  }
0x3b: {  	_ = 	snop  }
0x3c: {  	p2 =	seq.s32 s10, $0x1;
	s10 =	sld [smem:$0x3FBA]  }
0x3d: {  	_ =	shalt  }
0x3e: {  	_ =	shalt  }
0x3f: {  	_ =	shalt  }
0x40: {  	_ =	shalt  }
0x41: {  	_ =	shalt  }
0x42: {  	_ =	shalt  }
0x43: {  	_ =	shalt  }
0x44: {  	_ =	shalt  }
0x45: {  	_ =	shalt  }
0x46: {  	_ =	shalt  }
0x47: {  	_ =	shalt  }
0x48: {  	_ =	shalt  }
0x49: {  	_ =	shalt  }
0x4a: {  	_ =	shalt  }
0x4b: {  	_ =	shalt  }
0x4c: {  	_ =	shalt  }
0x4d: {  	_ =	shalt  }
0x4e: {  	_ =	shalt  }
0x4f: {  	_ =	shalt  }
0x50: {  	_ =	shalt  }
0x51: {  	_ =	shalt  }
0x52: {  	_ =	shalt  }
0x53: {  	_ =	shalt  }
0x54: {  	_ =	shalt  }
0x55: {  	_ =	shalt  }
0x56: {  	_ =	shalt  }
0x57: {  	_ =	shalt  }
0x58: {  	_ =	shalt  }
0x59: {  	_ =	shalt  }
0x5a: {  	_ =	shalt  }
0x5b: {  	_ =	shalt  }
0x5c: {  	_ =	shalt  }
0x5d: {  	_ =	shalt  }
0x5e: {  	_ =	shalt  }
0x5f: {  	_ =	shalt  }
0x60: {  	_ =	shalt  }
0x61: {  	_ =	shalt  }
0x62: {  	_ =	shalt  }
0x63: {  	_ =	shalt  }
0x64: {  	_ =	shalt  }
0x65: {  	_ =	shalt  }
0x66: {  	_ =	shalt  }
0x67: {  	_ =	shalt  }
0x68: {  	_ =	shalt  }
0x69: {  	_ =	shalt  }
0x6a: {  	_ =	shalt  }
0x6b: {  	_ =	shalt  }
0x6c: {  	_ =	shalt  }
0x6d: {  	_ =	shalt  }
0x6e: {  	_ =	shalt  }
0x6f: {  	_ =	shalt  }
0x70: {  	_ =	shalt  }
0x71: {  	_ =	shalt  }
0x72: {  	_ =	shalt  }
0x73: {  	_ =	shalt  }
0x74: {  	_ =	shalt  }
0x75: {  	_ =	shalt  }
0x76: {  	_ =	shalt  }
0x77: {  	_ =	shalt  }
0x78: {  	_ =	shalt  }
0x79: {  	_ =	shalt  }
0x7a: {  	_ =	shalt  }
0x7b: {  	_ =	shalt  }
0x7c: {  	_ =	shalt  }
0x7d: {  	_ =	shalt  }
0x7e: {  	_ =	shalt  }
0x7f: {  	_ =	shalt  }
0x80: {  	_ =	shalt  }
0x81: {  	_ =	shalt  }
0x82: {  	_ =	shalt  }
0x83: {  	_ =	shalt  }
0x84: {  	_ =	shalt  }
0x85: {  	_ =	shalt  }
0x86: {  	_ =	shalt  }
0x87: {  	_ =	shalt  }
.Lfunc_end0:
.L_simem_size_0:
called_computation_lowered:
.L_overlay_start_0:
0x88: {  	s2 =	sld [smem:$0x3FD9]  }
0x89: {  	s3 =	sld [smem:$0x3FFE];
	_ =	sdelay $0x1  }
0x8a: {  	s1 =	srdreg.scid  }
0x8b: {  	s0 =	sand.u32 $0x1, s1  }
0x8c: {  	s15 =	sshll.u32 s0, $0xA;
	s2 =	sadd.s32 s3, s2  }
0x8d: {  	s2 =	sadd.s32 s2, s15  }
0x8e: {  	[smem:$0x3FC6] =	sst s2  }
0x8f: {  	_ = 	snop  }
0x90: {  	s2 =	sld [smem:$0x3FD0];
	_ =	sdelay $0x2  }
0x91: {  	s4 =	simm.s32 $0xA;
	s5 =	simm.s32 $0x10;
	s16 =	sld [smem:$0x3FC9]  }
0x92: {  	[smem:s5], [sflag:s4] =	dma.local [hbm:s2], $0x1  }
0x93: {  	_ =	swait.eq [sflag:s4], $0x1  }
0x94: {  	[sflag:s4] =	ssyncset.done $0x0  }
0x95: {  	[sflag:s4] =	ssyncadd.s32 $0xFFFFFFFF  }
0x96: {  	s17 =	sld [smem:$0x10];
	(tm) =	ssettm $0x1  }
0x97: {  	s18 =	sld [smem:$0x3FFB];
	_ =	sdelay $0x3  }
0x98: {  	_ =	strace s18  }
0x99: {  	s4 =	sld [smem:$0x3FFC];
	_ =	sdelay $0x3  }
0x9a: {  	_ =	strace s4  }
0x9b: {  	s4 =	sld [smem:$0x3FFD];
	_ =	sdelay $0x3  }
0x9c: {  	_ =	strace s4  }
0x9d: {  	_ =	strace $0x8FFFFFFF  }
0x9e: {  	s19 =	sld [smem:$0x3FDB];
	_ =	sdelay $0x1  }
0x9f: {  	s20 =	simm.s32 $_scs_section_size  }
0xa0: {  	s6 =	simm.s32 $_size__tile_overlayer_lowered;
	s7 =	simm.s32 $_tile_overlayer_lowered  }
0xa1: {  	s23 =	simm.s32 $0x1BFF;
	s22 =	sshll.u32 s7, $0x1;
	s4 =	sadd.s32 s20, s19  }
0xa2: {  	s8 =	simm.s32 $0x0;
	s21 =	sshll.u32 s6, $0x1;
	s6 =	sadd.s32 s22, s4  }
0xa3: {  	[timem:s8], [sflag:s23] =	dma.local [hbm:s6], s21  }
0xa4: {  	_ =	swait.ge [sflag:s23], s21  }
0xa5: {  	s5 =	ssub.s32 $0x0, s21;
	[sflag:s23] =	ssyncset.done $0x0  }
0xa6: {  	[sflag:s23] =	ssyncadd.s32 s5;
	_ =	sdelay $0x1  }
0xa7: {  	s24 =	simm.s32 $0x1B8B  }
0xa8: {  	_ =	swait.ge [sflag:s24], $0x1  }
0xa9: {  	[sflag:s24] =	ssyncset.done $0x0  }
0xaa: {  	s25 =	simm.s32 $0x1B8E;
	[sflag:s24] =	ssyncadd.s32 $0xFFFFFFFF  }
0xab: {  	s26 =	simm.s32 $execute0_lowered;
	[smem:$0x3FD2] =	sst s25  }
0xac: {  	s5 =	sshll.u32 s26, $0x1;
	_ =	strace $0x80000046;
	[dreg:$0x1] =	wrdreg $0xFFFFFFFF  }
0xad: {  	s28 =	simm.s32 $_size_execute0_lowered;
	s4 =	sadd.s32 s4, s5;
	[dreg:$0x0] =	wrdreg $0x0  }
0xae: {  	s5 =	sshll.u32 s28, $0x1;
	[dreg:$0x2] =	wrdreg s4  }
0xaf: {  	[dreg:$0x3] =	wrdreg s5  }
0xb0: {  	[dreg:$0x4] =	wrdreg $0xC0  }
0xb1: {  	_ =	task [dreg:s8], $0x5FFFF  }
0xb2: {  	[dreg:$0x1] =	wrdreg $0xFFFFFFFF  }
0xb3: {  	[dreg:$0x0] =	wrdreg $0x60  }
0xb4: {  	[dreg:$0x2] =	wrdreg s16  }
0xb5: {  	[dreg:$0x3] =	wrdreg s17  }
0xb6: {  	[dreg:$0x4] =	wrdreg $0x9  }
0xb7: {  	_ =	task.clear_ibuf [dreg:s8], $0x5FFFF;
	_ =	strace $0x90000046  }
0xb8: {  	s29 =	simm.s32 $0x9;
	_ =	strace $0x80000048  }
0xb9: {  	_ =	swait.ge [sflag:s29], $0x1  }
0xba: {  	[sflag:s29] =	ssyncadd.s32 $0xFFFFFFFF  }
0xbb: {  	_ =	strace $0x90000048  }
0xbc: {  	_ =	sfence  }
0xbd: {  	s30 =	sld [smem:$0x0];
	_ =	sdelay $0x2  }
0xbe: {  	s31 =	sshll.u32 s1, $0xD;
	s1 =	sshrl.u32 s1, $0x2  }
0xbf: {  	s3 =	sand.u32 $0x4000, s31;
	s1 =	sadd.s32 s1, s30  }
0xc0: {  	s0 =	sor.u32 s3, s0;
	s1 =	sshll.u32 s1, $0x11  }
0xc1: {  	s0 =	sor.u32 s1, s0  }
0xc2: {  	s0 =	sadd.s32 $0x8F2B, s0  }
0xc3: {  	[sflag:s0] =	ssyncadd.remote.s32 $0x1  }
0xc4: {  	_ =	sfence.sel $0xFFFF  }
0xc5: {  	[dreg:$0x0] =	wrdreg $0xFFFFFFFF;
	(pc) =	sbr.abs _section_cstart, $3  }
0xc6: {  	[dreg:$0x1] =	wrdreg $0xFFFFFFFF  }
0xc7: {  	_ =	task.clear_ibuf [dreg:s8], $0x2FFFF;
	_ =	strace $0x9FFFFFFF  }
0xc8: {  	(tm) =	ssettm $0x7FFFFFFF  }
0xc9: {  	_ =	shalt  }
tec
execute0_lowered:
.L_overlay_start_1:
0x0: {  	(tag) =	ssettag $0x1  }
0x1: {  	s6 =	rddreg [dreg:$0x0]  }
0x2: {  	s10 =	rddreg [dreg:$0x1];
	s1 =	srdreg.scid  }
0x3: {  	s0 =	rddreg [dreg:$0x2];
	s2 =	simm.s32 $0x0;
	s13 =	simm.s32 $0x2  }
0x4: {  	s14 =	simm.s32 $0x3;
	s15 =	simm.s32 $0x4;
	s16 =	simm.s32 $0x5  }
0x5: {  	s17 =	simm.s32 $0x6;
	s18 =	simm.s32 $0x7;
	s19 =	simm.s32 $0x8  }
0x6: {  	s20 =	simm.s32 $0x0;
	s3 =	sand.u32 $0x1, s1;
	s1 =	stileid.u32  }
0x7: {  	s4 =	ssub.s32 $0x2, s3;
	s7 =	sshll.u32 s1, $0xC;
	s3 =	sshll.u32 s3, $0xB  }
0x8: {  	[smem:$0x7FF] =	sst s2;
	s5 =	sshrl.u32 s4, $0x1;
	s7 =	sor.u32 s3, s7  }
0x9: {  	_ =	strace $0x80000047;
	s11 =	ssub.s32 s4, s5;
	s3 =	sadd.s32 s6, s7  }
0xa: {  	s8 =	sor.u32 $0x200, s7;
	s9 =	sor.u32 $0x400, s7;
	s12 =	sor.u32 $0x600, s7  }
0xb: {  	s7 =	sadd.s32 s10, s7;
	s4 =	sadd.s32 s6, s8;
	s5 =	sadd.s32 s6, s9  }
0xc: {  	s6 =	sadd.s32 s6, s12;
	s8 =	sadd.s32 s10, s8;
	s9 =	sadd.s32 s10, s9  }
0xd: {  	s10 =	sadd.s32 s10, s12;
	s11 =	smax.u32 s11, $0x1;
	s12 =	simm.s32 $0x1  }
.LBB2_1:
0xe: {  	s21 =	simm.s32 $0x10  }
0xf: {  	s24 =	sadd.s32 $0x0, s3;
	s22 =	simm.s32 $0x200;
	s23 =	simm.s32 $0x0  }
.LBB2_2:
0x10: {  	[tilespmem:s23], [sflag:$0x1] =	stream.linear.gather [hbm4b:s24+s2], $0x80, $0x38;
	[tilespmem:$0x4000] =	vst v63  }
0x11: {  	s24 =	smov.u32 s21;
	s23 =	smov.u32 s22;
	p0 =	sne.s32 s21, $0x1F0  }
.Ltmp0:
0x12: {  	s21 =	sadd.s32 $0x10, s21;
	(pc) =	sbr.rel @p0 .LBB2_2-.Ltmp0, $2  }
0x13: {  	_ =	sdelay $0x2  }
0x14: {  	s22 =	sadd.s32 $0x200, s22;
	s24 =	sadd.s32 s24, s3  }
0x15: {  	[tilespmem:s23], [sflag:$0x1] =	stream.linear.gather [hbm4b:s24+s2], $0x80, $0x38;
	[tilespmem:$0x4000] =	vst v63  }
0x16: {  	s21 =	simm.s32 $0x80  }
0x17: {  	s22 =	simm.s32 $0x10;
	s24 =	sadd.s32 $0x0, s4;
	s23 =	simm.s32 $0x280  }
.LBB2_4:
0x18: {  	[tilespmem:s21], [sflag:$0x2] =	stream.linear.gather [hbm4b:s24+s2], $0x80, $0x38;
	[tilespmem:$0x4000] =	vst v63  }
0x19: {  	s24 =	smov.u32 s22;
	s21 =	smov.u32 s23;
	p0 =	sne.s32 s22, $0x1F0  }
.Ltmp1:
0x1a: {  	s22 =	sadd.s32 $0x10, s22;
	(pc) =	sbr.rel @p0 .LBB2_4-.Ltmp1, $2  }
0x1b: {  	_ =	sdelay $0x2  }
0x1c: {  	s23 =	sadd.s32 $0x200, s23;
	s24 =	sadd.s32 s24, s4  }
0x1d: {  	[tilespmem:s21], [sflag:$0x2] =	stream.linear.gather [hbm4b:s24+s2], $0x80, $0x38;
	[tilespmem:$0x4000] =	vst v63  }
0x1e: {  	s21 =	simm.s32 $0x100  }
0x1f: {  	s22 =	simm.s32 $0x10;
	s24 =	sadd.s32 $0x0, s5;
	s23 =	simm.s32 $0x300  }
.LBB2_6:
0x20: {  	[tilespmem:s21], [sflag:$0x3] =	stream.linear.gather [hbm4b:s24+s2], $0x80, $0x38;
	[tilespmem:$0x4000] =	vst v63  }
0x21: {  	s24 =	smov.u32 s22;
	s21 =	smov.u32 s23;
	p0 =	sne.s32 s22, $0x1F0  }
.Ltmp2:
0x22: {  	s22 =	sadd.s32 $0x10, s22;
	(pc) =	sbr.rel @p0 .LBB2_6-.Ltmp2, $2  }
0x23: {  	_ =	sdelay $0x2  }
0x24: {  	s23 =	sadd.s32 $0x200, s23;
	s24 =	sadd.s32 s24, s5  }
0x25: {  	[tilespmem:s21], [sflag:$0x3] =	stream.linear.gather [hbm4b:s24+s2], $0x80, $0x38;
	[tilespmem:$0x4000] =	vst v63  }
0x26: {  	s21 =	simm.s32 $0x180  }
0x27: {  	s22 =	simm.s32 $0x10;
	s24 =	sadd.s32 $0x0, s6;
	s23 =	simm.s32 $0x380  }
.LBB2_8:
0x28: {  	[tilespmem:s21], [sflag:$0x4] =	stream.linear.gather [hbm4b:s24+s2], $0x80, $0x38;
	[tilespmem:$0x4000] =	vst v63  }
0x29: {  	s24 =	smov.u32 s22;
	s21 =	smov.u32 s23;
	p0 =	sne.s32 s22, $0x1F0  }
.Ltmp3:
0x2a: {  	s22 =	sadd.s32 $0x10, s22;
	(pc) =	sbr.rel @p0 .LBB2_8-.Ltmp3, $2  }
0x2b: {  	_ =	sdelay $0x2  }
0x2c: {  	s23 =	sadd.s32 $0x200, s23;
	s24 =	sadd.s32 s24, s6  }
0x2d: {  	[tilespmem:s21], [sflag:$0x4] =	stream.linear.gather [hbm4b:s24+s2], $0x80, $0x38;
	[tilespmem:$0x4000] =	vst v63  }
0x2e: {  	_ =	swait.ge [sflag:s12], $0x1000  }
0x2f: {  	s21 =	simm.s32 $0x0;
	s22 =	simm.s32 $0x10;
	[sflag:s12] =	ssyncset.done $0x0  }
0x30: {  	s24 =	sadd.s32 $0x0, s7;
	s23 =	simm.s32 $0x200;
	[sflag:s12] =	ssyncadd.s32 $0xFFFFF000  }
.LBB2_10:
0x31: {  	[hbm4b:s24+s2] =	stream.linear.scatter [tilespmem:s21], [sflag:$0x5], $0x80, $0x38;
	[tilespmem:$0x4000] =	vst v63  }
0x32: {  	s24 =	smov.u32 s22;
	s21 =	smov.u32 s23;
	p0 =	sne.s32 s22, $0x1F0  }
.Ltmp4:
0x33: {  	s22 =	sadd.s32 $0x10, s22;
	(pc) =	sbr.rel @p0 .LBB2_10-.Ltmp4, $2  }
0x34: {  	_ =	sdelay $0x2  }
0x35: {  	s23 =	sadd.s32 $0x200, s23;
	s24 =	sadd.s32 s24, s7  }
0x36: {  	[hbm4b:s24+s2] =	stream.linear.scatter [tilespmem:s21], [sflag:$0x5], $0x80, $0x38;
	[tilespmem:$0x4000] =	vst v63  }
0x37: {  	_ =	swait.ge [sflag:s13], $0x1000  }
0x38: {  	s21 =	simm.s32 $0x80;
	s22 =	simm.s32 $0x10;
	[sflag:s13] =	ssyncset.done $0x0  }
0x39: {  	s24 =	sadd.s32 $0x0, s8;
	s23 =	simm.s32 $0x280;
	[sflag:s13] =	ssyncadd.s32 $0xFFFFF000  }
.LBB2_12:
0x3a: {  	[hbm4b:s24+s2] =	stream.linear.scatter [tilespmem:s21], [sflag:$0x6], $0x80, $0x38;
	[tilespmem:$0x4000] =	vst v63  }
0x3b: {  	s24 =	smov.u32 s22;
	s21 =	smov.u32 s23;
	p0 =	sne.s32 s22, $0x1F0  }
.Ltmp5:
0x3c: {  	s22 =	sadd.s32 $0x10, s22;
	(pc) =	sbr.rel @p0 .LBB2_12-.Ltmp5, $2  }
0x3d: {  	_ =	sdelay $0x2  }
0x3e: {  	s23 =	sadd.s32 $0x200, s23;
	s24 =	sadd.s32 s24, s8  }
0x3f: {  	[hbm4b:s24+s2] =	stream.linear.scatter [tilespmem:s21], [sflag:$0x6], $0x80, $0x38;
	[tilespmem:$0x4000] =	vst v63  }
0x40: {  	_ =	swait.ge [sflag:s14], $0x1000  }
0x41: {  	s21 =	simm.s32 $0x100;
	s22 =	simm.s32 $0x10;
	[sflag:s14] =	ssyncset.done $0x0  }
0x42: {  	s24 =	sadd.s32 $0x0, s9;
	s23 =	simm.s32 $0x300;
	[sflag:s14] =	ssyncadd.s32 $0xFFFFF000  }
.LBB2_14:
0x43: {  	[hbm4b:s24+s2] =	stream.linear.scatter [tilespmem:s21], [sflag:$0x7], $0x80, $0x38;
	[tilespmem:$0x4000] =	vst v63  }
0x44: {  	s24 =	smov.u32 s22;
	s21 =	smov.u32 s23;
	p0 =	sne.s32 s22, $0x1F0  }
.Ltmp6:
0x45: {  	s22 =	sadd.s32 $0x10, s22;
	(pc) =	sbr.rel @p0 .LBB2_14-.Ltmp6, $2  }
0x46: {  	_ =	sdelay $0x2  }
0x47: {  	s23 =	sadd.s32 $0x200, s23;
	s24 =	sadd.s32 s24, s9  }
0x48: {  	[hbm4b:s24+s2] =	stream.linear.scatter [tilespmem:s21], [sflag:$0x7], $0x80, $0x38;
	[tilespmem:$0x4000] =	vst v63  }
0x49: {  	_ =	swait.ge [sflag:s15], $0x1000  }
0x4a: {  	s21 =	simm.s32 $0x180;
	s22 =	simm.s32 $0x10;
	[sflag:s15] =	ssyncset.done $0x0  }
0x4b: {  	s24 =	sadd.s32 $0x0, s10;
	s23 =	simm.s32 $0x380;
	[sflag:s15] =	ssyncadd.s32 $0xFFFFF000  }
.LBB2_16:
0x4c: {  	[hbm4b:s24+s2] =	stream.linear.scatter [tilespmem:s21], [sflag:$0x8], $0x80, $0x38;
	[tilespmem:$0x4000] =	vst v63  }
0x4d: {  	s24 =	smov.u32 s22;
	s21 =	smov.u32 s23;
	p0 =	sne.s32 s22, $0x1F0  }
.Ltmp7:
0x4e: {  	s22 =	sadd.s32 $0x10, s22;
	(pc) =	sbr.rel @p0 .LBB2_16-.Ltmp7, $2  }
0x4f: {  	_ =	sdelay $0x2  }
0x50: {  	s23 =	sadd.s32 $0x200, s23;
	s24 =	sadd.s32 s24, s10  }
0x51: {  	[hbm4b:s24+s2] =	stream.linear.scatter [tilespmem:s21], [sflag:$0x8], $0x80, $0x38;
	[tilespmem:$0x4000] =	vst v63  }
0x52: {  	_ =	swait.ge [sflag:s16], $0x1000  }
0x53: {  	[sflag:s16] =	ssyncset.done $0x0  }
0x54: {  	[sflag:s16] =	ssyncadd.s32 $0xFFFFF000  }
0x55: {  	_ =	swait.ge [sflag:s17], $0x1000  }
0x56: {  	[sflag:s17] =	ssyncset.done $0x0  }
0x57: {  	s20 =	sadd.s32 $0x1, s20;
	[sflag:s17] =	ssyncadd.s32 $0xFFFFF000  }
0x58: {  	p0 =	sne.s32 s20, s11;
	_ =	swait.ge [sflag:s18], $0x1000  }
.Ltmp8:
0x59: {  	[sflag:s18] =	ssyncset.done $0x0;
	(pc) =	sbr.rel @p0 .LBB2_1-.Ltmp8, $4  }
0x5a: {  	[sflag:s18] =	ssyncadd.s32 $0xFFFFF000  }
0x5b: {  	_ =	swait.ge [sflag:s19], $0x1000  }
0x5c: {  	[sflag:s19] =	ssyncset.done $0x0  }
0x5d: {  	[sflag:s19] =	ssyncadd.s32 $0xFFFFF000  }
0x5e: {  	_ =	sfence.sel $0x180000  }
0x5f: {  	[bflag:$0x0] =	sbarrier.arrive $0xFFFF  }
0x60: {  	p0 =	sne.s32 s1, $0x0;
	_ =	strace $0x90000047  }
0x61: {  	s0 =	sadd.s32 @!p0 $0x100000, s0;
	[bflag:$0x2] =	sbarrier.arrive $0xFFFF  }
0x62: {  	[sflag:s0] =	ssyncadd.tile.s32 @!p0 $0x1;
	_ =	shalt  }
.Lfunc_end2:
_tile_overlayer_lowered:
.L_overlay_start_2:
0x63: {  	(tag) =	ssettag $0x2  }
0x64: {  	s0 =	rddreg [dreg:$0x0];
	s2 =	stileid.u32  }
0x65: {  	s1 =	rddreg [dreg:$0x1];
	p0 =	sne.s32 s2, $0x0  }
0x66: {  	s3 =	rddreg [dreg:$0x2];
	[bflag:$0x3] =	sbarrier.arrive $0xFFFF;
	s2 =	simm.s32 @!p0 $0x1C09  }
0x67: {  	[timem:s3], [sflag:s2] =	dma.local @!p0 [hbm:s0], s1  }
0x68: {  	s0 =	simm.s32 @!p0 $0x9  }
0x69: {  	_ =	swait.ge @!p0 [sflag:s0], s1  }
0x6a: {  	s1 =	ssub.s32 @!p0 $0x0, s1;
	[sflag:s0] =	ssyncset.done @!p0 $0x0  }
0x6b: {  	[sflag:s0] =	ssyncadd.s32 @!p0 s1  }
0x6c: {  	[bflag:$0x3] =	sbarrier.arrive $0xFFFF  }
0x6d: {  	_ =	shalt  }

</sc_bundles>
